<compile_context>
chip_gen: v7x
topology: tpu7x:2x2x1
jax: 0.10.2.dev20260603
libtpu: 0.0.44.dev20260713+nightly
codegen_flags: <defaults>
</compile_context>

<pallas_src>
import jax
import jax.numpy as jnp
from jax import lax
from jax.experimental import pallas as pl
from jax.experimental.pallas import tpu as pltpu
from jax.experimental.pallas import tpu_sc as plsc

NUM_E = 16384
D = 2048
C_IN = 256
N_TOK = 8192

BM = 512
BN = 512
NEG = float("-inf")


def _sim_body(t_ref, w_ref, b_ref, nz_ref, en_ref, idx_ref,
              zb_ref, acc_ref, bidx_ref):
    n = pl.program_id(1)

    @pl.when(n == 0)
    def _init():
        xs = (jnp.dot(t_ref[...], w_ref[...],
                      preferred_element_type=jnp.float32) + b_ref[...])
        zb_ref[...] = (xs / nz_ref[...][:, None]).astype(jnp.bfloat16)
        acc_ref[...] = jnp.full((BM,), NEG, dtype=jnp.float32)
        bidx_ref[...] = jnp.zeros((BM,), dtype=jnp.int32)

    sim = lax.dot_general(zb_ref[...], en_ref[...], (((1,), (1,)), ((), ())),
                          preferred_element_type=jnp.float32)
    v = jnp.max(sim, axis=1)
    cols = lax.broadcasted_iota(jnp.int32, sim.shape, 1)
    j = jnp.min(jnp.where(sim == v[:, None], cols, BN), axis=1) + n * BN
    upd = v > acc_ref[...]
    bidx_ref[...] = jnp.where(upd, j, bidx_ref[...])
    rv = v.astype(jnp.bfloat16).astype(jnp.float32)
    acc_ref[...] = jnp.where(upd, rv, acc_ref[...])

    @pl.when(n == pl.num_programs(1) - 1)
    def _fin():
        idx_ref[...] = bidx_ref[...]


def _sim_argmax(tokens, w_t, bias2d, nz, en_bf):
    return pl.pallas_call(
        _sim_body,
        grid=(N_TOK // BM, NUM_E // BN),
        in_specs=[
            pl.BlockSpec((BM, C_IN), lambda m, n: (m, 0)),
            pl.BlockSpec((C_IN, D), lambda m, n: (0, 0)),
            pl.BlockSpec((1, D), lambda m, n: (0, 0)),
            pl.BlockSpec((BM,), lambda m, n: (m,)),
            pl.BlockSpec((BN, D), lambda m, n: (n, 0)),
        ],
        out_specs=pl.BlockSpec((BM,), lambda m, n: (m,)),
        out_shape=jax.ShapeDtypeStruct((N_TOK,), jnp.int32),
        scratch_shapes=[
            pltpu.VMEM((BM, D), jnp.bfloat16),
            pltpu.VMEM((BM,), jnp.float32),
            pltpu.VMEM((BM,), jnp.int32),
        ],
        compiler_params=pltpu.CompilerParams(
            dimension_semantics=("arbitrary", "arbitrary"),
        ),
    )(tokens, w_t, bias2d, nz, en_bf)


_NW = 32
_BPW = N_TOK // _NW
_CH = 16


def _gather_body(en_hbm, idx_hbm, out_hbm, idx_v, rows_v, sem):
    wid = lax.axis_index("s") * 2 + lax.axis_index("c")
    base = wid * _BPW
    pltpu.sync_copy(idx_hbm.at[pl.ds(base, _BPW)], idx_v)

    def chunk(i, carry):
        pltpu.async_copy(en_hbm.at[idx_v.at[pl.ds(i * _CH, _CH)]], rows_v, sem).wait()
        pltpu.sync_copy(rows_v, out_hbm.at[pl.ds(base + i * _CH, _CH)])
        return carry

    lax.fori_loop(0, _BPW // _CH, chunk, 0)


def _sc_gather(en, idx):
    mesh = plsc.VectorSubcoreMesh(core_axis_name="c", subcore_axis_name="s")
    run = pl.kernel(
        _gather_body,
        mesh=mesh,
        out_type=jax.ShapeDtypeStruct((N_TOK, D), jnp.float32),
        scratch_types=[
            pltpu.VMEM((_BPW,), jnp.int32),
            pltpu.VMEM((_CH, D), jnp.float32),
            pltpu.SemaphoreType.DMA,
        ],
    )
    return run(en, idx)


def kernel(hidden_states, embedding, quant_conv_w, quant_conv_b):
    b, c, h, w = hidden_states.shape
    tokens = hidden_states.transpose(0, 2, 3, 1).reshape(N_TOK, C_IN)
    w_t = quant_conv_w.T
    bias2d = quant_conv_b.reshape(1, D)

    x = jnp.einsum('tc,ec->te', tokens, quant_conv_w) + quant_conv_b[None, :]
    nz = jnp.maximum(jnp.sqrt(jnp.sum(x * x, axis=-1)), 1e-12)
    en = embedding / jnp.maximum(
        jnp.sqrt(jnp.sum(embedding * embedding, axis=-1, keepdims=True)), 1e-12)
    en_bf = en.astype(jnp.bfloat16)

    idx = _sim_argmax(tokens, w_t, bias2d, nz, en_bf)
    quant_flat = _sc_gather(en, idx)
    quant = quant_flat.reshape(b, h, w, D).transpose(0, 3, 1, 2)
    return quant, idx

# --- scband reference (transcript-rebuilt; emitter-appended) ---
"""Pipeline reference for scband-glm-image-vqvae-15384572854610 (READ-ONLY COPY).

The authoritative reference and input builder live on the scoring server;
editing this copy changes nothing except your own understanding.
"""

import jax, jax.numpy as jnp
import numpy as np

NUM_EMBEDDINGS = 16384
EMBED_DIM = 2048
LATENT_CHANNELS = 256
B, H, W = 8, 32, 32


def _l2_normalize(x, eps=1e-12):
    norm = jnp.sqrt(jnp.sum(x * x, axis=-1, keepdims=True))
    return x / jnp.maximum(norm, eps)


def setup_inputs(seed: int = 0) -> dict:
    key = jax.random.key(seed)
    k1, k2, k3, k4 = jax.random.split(key, 4)
    hidden_states = jax.random.normal(k1, (B, LATENT_CHANNELS, H, W), dtype=jnp.float32)
    embedding = jax.random.normal(k2, (NUM_EMBEDDINGS, EMBED_DIM), dtype=jnp.float32) * 0.02
    quant_conv_w = jax.random.normal(k3, (EMBED_DIM, LATENT_CHANNELS), dtype=jnp.float32) * 0.02
    quant_conv_b = jax.random.normal(k4, (EMBED_DIM,), dtype=jnp.float32) * 0.01
    return {
        "hidden_states": hidden_states,
        "embedding": embedding,
        "quant_conv_w": quant_conv_w,
        "quant_conv_b": quant_conv_b,
    }


def reference(hidden_states, embedding, quant_conv_w, quant_conv_b):
    # encode(): quant_conv is a 1x1 conv: (B, latent, H, W) -> (B, embed_dim, H, W)
    b, c, h, w = hidden_states.shape
    x = jnp.einsum('bchw,ec->behw', hidden_states, quant_conv_w)
    x = x + quant_conv_b[None, :, None, None]
    # VectorQuantizer: permute to (B, H, W, D), flatten tokens
    flat = jnp.transpose(x, (0, 2, 3, 1)).reshape(-1, EMBED_DIM)
    zn = _l2_normalize(flat)
    en = _l2_normalize(embedding)
    # cosine similarity; argmax(sim) == argmin(L2 dist) for normalized vectors
    similarity = jnp.matmul(zn, en.T)
    min_encoding_indices = jnp.argmax(similarity, axis=1)
    # gather normalized codebook rows
    quant = jnp.take(en, min_encoding_indices, axis=0)
    quant = jnp.transpose(quant.reshape(b, h, w, EMBED_DIM), (0, 3, 1, 2))
    return quant, min_encoding_indices

if __name__ == "__main__":
    import jax
    _d = setup_inputs()
    print(jax.jit(kernel)(*tuple(_d.values())))

</pallas_src>

<mosaic_0001>
#map = affine_map<(d0, d1) -> (0, 0)>
#map1 = affine_map<(d0, d1) -> (0)>
module attributes {stable_mosaic.version = 14 : i64} {
  func.func @_gather_body(%arg0: i32, %arg1: i32, %arg2: memref<16384x2048xf32, #tpu.memory_space<hbm>>, %arg3: memref<8192xi32, #tpu.memory_space<hbm>>, %arg4: memref<8192x2048xf32, #tpu.memory_space<hbm>>, %arg5: memref<256xi32, #tpu.memory_space<vmem>>, %arg6: memref<16x2048xf32, #tpu.memory_space<vmem>>, %arg7: memref<!tpu.dma_semaphore, #tpu.memory_space<semaphore_mem>>) attributes {dimension_semantics = [#tpu.dimension_semantics<core_parallel>, #tpu.dimension_semantics<subcore_parallel>], iteration_bounds = array<i64: 2, 16>, scalar_prefetch = 0 : i64, scratch_operands = 3 : i64, tpu.core_type = #tpu.core_type<sc_vector_subcore>, window_params = [{transform_indices = #map}, {transform_indices = #map1}, {transform_indices = #map}]} {
    %mul3A = arith.constant 2 : i32
    %mul3A_0 = arith.muli %arg1, %mul3A : i32
    %add3A = arith.addi %mul3A_0, %arg0 : i32
    %mul3A_1 = arith.constant 256 : i32
    %mul3A_2 = arith.muli %add3A, %mul3A_1 : i32
    "tpu.region"() ({
      %run_scoped3A = tpu.sem_alloc : memref<!tpu.dma_semaphore, #tpu.memory_space<semaphore_mem>>
      %dma_start3A = tpu.memref_slice %arg3[%mul3A_2] : memref<8192xi32, #tpu.memory_space<hbm>> -> memref<256xi32, #tpu.memory_space<hbm>>
      %dma_start3A_8 = tpu.memref_slice %arg3[%mul3A_2] : memref<8192xi32, #tpu.memory_space<hbm>> -> memref<256xi32, #tpu.memory_space<hbm>>
      tpu.enqueue_dma source(%dma_start3A_8 : memref<256xi32, #tpu.memory_space<hbm>>) target(%arg5 : memref<256xi32, #tpu.memory_space<vmem>>) target_semaphore(%run_scoped3A : memref<!tpu.dma_semaphore, #tpu.memory_space<semaphore_mem>>)
      %dma_wait3A = tpu.memref_slice %arg3[%mul3A_2] : memref<8192xi32, #tpu.memory_space<hbm>> -> memref<256xi32, #tpu.memory_space<hbm>>
      %dma_wait3A_9 = tpu.memref_slice %arg3[%mul3A_2] : memref<8192xi32, #tpu.memory_space<hbm>> -> memref<256xi32, #tpu.memory_space<hbm>>
      tpu.wait_dma2 semaphore(%run_scoped3A : memref<!tpu.dma_semaphore, #tpu.memory_space<semaphore_mem>>) src(%dma_wait3A_9 : memref<256xi32, #tpu.memory_space<hbm>>) dst(%arg5 : memref<256xi32, #tpu.memory_space<vmem>>)
      tpu.yield
    }) : () -> ()
    %scan3A = arith.constant 0 : i32
    %scan3A_3 = arith.constant 0 : i32
    %scan3A_4 = arith.constant 16 : i32
    %scan3A_5 = arith.addi %scan3A_3, %scan3A_4 : i32
    %scan3A_6 = arith.constant 1 : i32
    scf.for %scan3A_8 = %scan3A_3 to %scan3A_5 step %scan3A_6  : i32 {
      %mul3A_9 = arith.constant 16 : i32
      %mul3A_10 = arith.muli %scan3A_8, %mul3A_9 : i32
      %dma_start3A = tpu.memref_slice %arg5[%mul3A_10] : memref<256xi32, #tpu.memory_space<vmem>> -> memref<16xi32, #tpu.memory_space<vmem>>
      %dma_start3A_11 = arith.constant 0 : i32
      %dma_start3A_12 = arith.constant 0 : i32
      %dma_start3A_13 = tpu.memref_slice %arg2[%dma_start3A_11, %dma_start3A_12] : memref<16384x2048xf32, #tpu.memory_space<hbm>> -> memref<16384x2048xf32, #tpu.memory_space<hbm>>
      tpu.enqueue_indirect_dma source(%dma_start3A_13 : memref<16384x2048xf32, #tpu.memory_space<hbm>>) target(%arg6 : memref<16x2048xf32, #tpu.memory_space<vmem>>) offsets(%dma_start3A : memref<16xi32, #tpu.memory_space<vmem>>) semaphore(%arg7 : memref<!tpu.dma_semaphore, #tpu.memory_space<semaphore_mem>>)
      %dma_wait3A = tpu.memref_slice %arg5[%mul3A_10] : memref<256xi32, #tpu.memory_space<vmem>> -> memref<16xi32, #tpu.memory_space<vmem>>
      %dma_wait3A_14 = arith.constant 0 : i32
      %dma_wait3A_15 = arith.constant 0 : i32
      %dma_wait3A_16 = tpu.memref_slice %arg2[%dma_wait3A_14, %dma_wait3A_15] : memref<16384x2048xf32, #tpu.memory_space<hbm>> -> memref<16384x2048xf32, #tpu.memory_space<hbm>>
      tpu.wait_indirect_dma semaphore(%arg7 : memref<!tpu.dma_semaphore, #tpu.memory_space<semaphore_mem>>) src(%dma_wait3A_16 : memref<16384x2048xf32, #tpu.memory_space<hbm>>) dst(%arg6 : memref<16x2048xf32, #tpu.memory_space<vmem>>)
      %mul3A_17 = arith.constant 16 : i32
      %mul3A_18 = arith.muli %scan3A_8, %mul3A_17 : i32
      %add3A_19 = arith.addi %mul3A_2, %mul3A_18 : i32
      "tpu.region"() ({
        %run_scoped3A = tpu.sem_alloc : memref<!tpu.dma_semaphore, #tpu.memory_space<semaphore_mem>>
        %dma_start3A_20 = arith.constant 0 : i32
        %dma_start3A_21 = tpu.memref_slice %arg4[%add3A_19, %dma_start3A_20] : memref<8192x2048xf32, #tpu.memory_space<hbm>> -> memref<16x2048xf32, #tpu.memory_space<hbm>>
        %dma_start3A_22 = arith.constant 0 : i32
        %dma_start3A_23 = tpu.memref_slice %arg4[%add3A_19, %dma_start3A_22] : memref<8192x2048xf32, #tpu.memory_space<hbm>> -> memref<16x2048xf32, #tpu.memory_space<hbm>>
        tpu.enqueue_dma source(%arg6 : memref<16x2048xf32, #tpu.memory_space<vmem>>) target(%dma_start3A_23 : memref<16x2048xf32, #tpu.memory_space<hbm>>) target_semaphore(%run_scoped3A : memref<!tpu.dma_semaphore, #tpu.memory_space<semaphore_mem>>)
        %dma_wait3A_24 = arith.constant 0 : i32
        %dma_wait3A_25 = tpu.memref_slice %arg4[%add3A_19, %dma_wait3A_24] : memref<8192x2048xf32, #tpu.memory_space<hbm>> -> memref<16x2048xf32, #tpu.memory_space<hbm>>
        %dma_wait3A_26 = arith.constant 0 : i32
        %dma_wait3A_27 = tpu.memref_slice %arg4[%add3A_19, %dma_wait3A_26] : memref<8192x2048xf32, #tpu.memory_space<hbm>> -> memref<16x2048xf32, #tpu.memory_space<hbm>>
        tpu.wait_dma2 semaphore(%run_scoped3A : memref<!tpu.dma_semaphore, #tpu.memory_space<semaphore_mem>>) src(%arg6 : memref<16x2048xf32, #tpu.memory_space<vmem>>) dst(%dma_wait3A_27 : memref<16x2048xf32, #tpu.memory_space<hbm>>)
        tpu.yield
      }) : () -> ()
    }
    %scan3A_7 = arith.constant 16 : i32
    return
  }
}

module attributes {stable_mosaic.version = 14 : i64} {
  func.func @_sim_body(%arg0: i32, %arg1: i32, %arg2: memref<512x256xf32, #tpu.memory_space<vmem>>, %arg3: memref<256x2048xf32, #tpu.memory_space<vmem>>, %arg4: memref<1x2048xf32, #tpu.memory_space<vmem>>, %arg5: memref<512xf32, #tpu.memory_space<vmem>>, %arg6: memref<512x2048xbf16, #tpu.memory_space<vmem>>, %arg7: memref<512xi32, #tpu.memory_space<vmem>>, %arg8: memref<512x2048xbf16, #tpu.memory_space<vmem>>, %arg9: memref<512xf32, #tpu.memory_space<vmem>>, %arg10: memref<512xi32, #tpu.memory_space<vmem>>) attributes {dimension_semantics = [#tpu.dimension_semantics<arbitrary>, #tpu.dimension_semantics<arbitrary>], iteration_bounds = array<i64: 16, 32>, scalar_prefetch = 0 : i64, scratch_operands = 3 : i64, tpu.core_type = #tpu.core_type<tc>, window_params = [{transform_indices = @transform_0, window_bounds = array<i64: 512, 256>}, {pipeline_mode = #tpu.pipeline_mode<synchronous>, transform_indices = @transform_1, window_bounds = array<i64: 256, 2048>}, {pipeline_mode = #tpu.pipeline_mode<synchronous>, transform_indices = @transform_2, window_bounds = array<i64: 1, 2048>}, {transform_indices = @transform_3, window_bounds = array<i64: 512>}, {transform_indices = @transform_4, window_bounds = array<i64: 512, 2048>}, {transform_indices = @transform_5, window_bounds = array<i64: 512>}]} {
    %eq3A = arith.constant 0 : i32
    %eq3A_0 = arith.cmpi eq, %arg1, %eq3A : i32
    %convert_element_type3A = arith.extui %eq3A_0 : i1 to i32
    %cond3A = arith.constant 0 : i32
    %cond3A_1 = arith.cmpi ne, %convert_element_type3A, %cond3A : i32
    scf.if %cond3A_1 {
      %get3A_33 = arith.constant 0 : index
      %get3A_34 = arith.constant 0 : index
      %get3A_35 = vector.load %arg2[%get3A_33, %get3A_34] : memref<512x256xf32, #tpu.memory_space<vmem>>, vector<512x256xf32>
      %get3A_36 = arith.constant 0 : index
      %get3A_37 = arith.constant 0 : index
      %get3A_38 = vector.load %arg3[%get3A_36, %get3A_37] : memref<256x2048xf32, #tpu.memory_space<vmem>>, vector<256x2048xf32>
      %dot_general3A_39 = arith.constant dense<0.000000e+00> : vector<512x2048xf32>
      %dot_general3A_40 = tpu.matmul %get3A_35, %get3A_38, %dot_general3A_39 {dimension_numbers = #tpu.dot_dimension_numbers<[1], [0], [0], [1], [0, 0, 1, 1], [], []>, transpose_lhs_hint = false} : vector<512x256xf32>, vector<256x2048xf32>, vector<512x2048xf32> -> vector<512x2048xf32>
      %get3A_41 = arith.constant 0 : index
      %get3A_42 = arith.constant 0 : index
      %get3A_43 = vector.load %arg4[%get3A_41, %get3A_42] : memref<1x2048xf32, #tpu.memory_space<vmem>>, vector<1x2048xf32>
      %add3A_44 = vector.broadcast %get3A_43 : vector<1x2048xf32> to vector<512x2048xf32>
      %add3A_45 = arith.addf %dot_general3A_40, %add3A_44 : vector<512x2048xf32>
      %get3A_46 = arith.constant 0 : index
      %get3A_47 = vector.load %arg5[%get3A_46] : memref<512xf32, #tpu.memory_space<vmem>>, vector<512xf32>
      %broadcast_in_dim3A_48 = vector.shape_cast %get3A_47 : vector<512xf32> to vector<512x1xf32>
      %div3A = vector.broadcast %broadcast_in_dim3A_48 : vector<512x1xf32> to vector<512x2048xf32>
      %div3A_49 = arith.divf %add3A_45, %div3A : vector<512x2048xf32>
      %convert_element_type3A_50 = arith.truncf %div3A_49 : vector<512x2048xf32> to vector<512x2048xbf16>
      %swap3A_51 = arith.constant 0 : index
      %swap3A_52 = arith.constant 0 : index
      %swap3A_53 = vector.load %arg8[%swap3A_51, %swap3A_52] : memref<512x2048xbf16, #tpu.memory_space<vmem>>, vector<512x2048xbf16>
      tpu.vector_store %arg8[%swap3A_51, %swap3A_52], %convert_element_type3A_50 {strides = array<i32>} : memref<512x2048xbf16, #tpu.memory_space<vmem>>, vector<512x2048xbf16>,
      %broadcast_in_dim3A_54 = arith.constant 0xFF800000 : f32
      %broadcast_in_dim3A_55 = vector.broadcast %broadcast_in_dim3A_54 : f32 to vector<512xf32>
      %swap3A_56 = arith.constant 0 : index
      %swap3A_57 = vector.load %arg9[%swap3A_56] : memref<512xf32, #tpu.memory_space<vmem>>, vector<512xf32>
      tpu.vector_store %arg9[%swap3A_56], %broadcast_in_dim3A_55 {strides = array<i32>} : memref<512xf32, #tpu.memory_space<vmem>>, vector<512xf32>,
      %broadcast_in_dim3A_58 = arith.constant 0 : i32
      %broadcast_in_dim3A_59 = vector.broadcast %broadcast_in_dim3A_58 : i32 to vector<512xi32>
      %swap3A_60 = arith.constant 0 : index
      %swap3A_61 = vector.load %arg10[%swap3A_60] : memref<512xi32, #tpu.memory_space<vmem>>, vector<512xi32>
      tpu.vector_store %arg10[%swap3A_60], %broadcast_in_dim3A_59 {strides = array<i32>} : memref<512xi32, #tpu.memory_space<vmem>>, vector<512xi32>,
    } else {
    }
    %get3A = arith.constant 0 : index
    %get3A_2 = arith.constant 0 : index
    %get3A_3 = vector.load %arg8[%get3A, %get3A_2] : memref<512x2048xbf16, #tpu.memory_space<vmem>>, vector<512x2048xbf16>
    %get3A_4 = arith.constant 0 : index
    %get3A_5 = arith.constant 0 : index
    %get3A_6 = vector.load %arg6[%get3A_4, %get3A_5] : memref<512x2048xbf16, #tpu.memory_space<vmem>>, vector<512x2048xbf16>
    %dot_general3A = arith.constant dense<0.000000e+00> : vector<512x512xf32>
    %dot_general3A_7 = tpu.matmul %get3A_3, %get3A_6, %dot_general3A {dimension_numbers = #tpu.dot_dimension_numbers<[1], [1], [0], [0], [0, 0, 1, 0], [], []>, transpose_lhs_hint = false} : vector<512x2048xbf16>, vector<512x2048xbf16>, vector<512x512xf32> -> vector<512x512xf32>
    %reduce_max3A = arith.constant dense<0xFF800000> : vector<512xf32>
    %reduce_max3A_8 = vector.multi_reduction <maximumf>, %dot_general3A_7, %reduce_max3A [1] : vector<512x512xf32> to vector<512xf32>
    %iota3A = tpu.iota {dimensions = array<i32: 1>} : vector<512x512xi32>
    %broadcast_in_dim3A = vector.shape_cast %reduce_max3A_8 : vector<512xf32> to vector<512x1xf32>
    %eq3A_9 = vector.broadcast %broadcast_in_dim3A : vector<512x1xf32> to vector<512x512xf32>
    %eq3A_10 = arith.cmpf oeq, %dot_general3A_7, %eq3A_9 : vector<512x512xf32>
    %jit3A = arith.constant 512 : i32
    %broadcast_in_dim3A_11 = vector.broadcast %jit3A : i32 to vector<512x512xi32>
    %select_n3A = arith.select %eq3A_10, %iota3A, %broadcast_in_dim3A_11 : vector<512x512xi1>, vector<512x512xi32>
    %reduce_min3A = arith.constant dense<2147483647> : vector<512xi32>
    %reduce_min3A_12 = vector.multi_reduction <minsi>, %select_n3A, %reduce_min3A [1] : vector<512x512xi32> to vector<512xi32>
    %mul3A = arith.constant 512 : i32
    %mul3A_13 = arith.muli %arg1, %mul3A : i32
    %add3A = vector.broadcast %mul3A_13 : i32 to vector<512xi32>
    %add3A_14 = arith.addi %reduce_min3A_12, %add3A : vector<512xi32>
    %get3A_15 = arith.constant 0 : index
    %get3A_16 = vector.load %arg9[%get3A_15] : memref<512xf32, #tpu.memory_space<vmem>>, vector<512xf32>
    %gt3A = arith.cmpf ogt, %reduce_max3A_8, %get3A_16 : vector<512xf32>
    %get3A_17 = arith.constant 0 : index
    %get3A_18 = vector.load %arg10[%get3A_17] : memref<512xi32, #tpu.memory_space<vmem>>, vector<512xi32>
    %select_n3A_19 = arith.select %gt3A, %add3A_14, %get3A_18 : vector<512xi1>, vector<512xi32>
    %swap3A = arith.constant 0 : index
    %swap3A_20 = vector.load %arg10[%swap3A] : memref<512xi32, #tpu.memory_space<vmem>>, vector<512xi32>
    tpu.vector_store %arg10[%swap3A], %select_n3A_19 {strides = array<i32>} : memref<512xi32, #tpu.memory_space<vmem>>, vector<512xi32>,
    %convert_element_type3A_21 = arith.truncf %reduce_max3A_8 : vector<512xf32> to vector<512xbf16>
    %convert_element_type3A_22 = arith.extf %convert_element_type3A_21 : vector<512xbf16> to vector<512xf32>
    %get3A_23 = arith.constant 0 : index
    %get3A_24 = vector.load %arg9[%get3A_23] : memref<512xf32, #tpu.memory_space<vmem>>, vector<512xf32>
    %select_n3A_25 = arith.select %gt3A, %convert_element_type3A_22, %get3A_24 : vector<512xi1>, vector<512xf32>
    %swap3A_26 = arith.constant 0 : index
    %swap3A_27 = vector.load %arg9[%swap3A_26] : memref<512xf32, #tpu.memory_space<vmem>>, vector<512xf32>
    tpu.vector_store %arg9[%swap3A_26], %select_n3A_25 {strides = array<i32>} : memref<512xf32, #tpu.memory_space<vmem>>, vector<512xf32>,
    %eq3A_28 = arith.constant 31 : i32
    %eq3A_29 = arith.cmpi eq, %arg1, %eq3A_28 : i32
    %convert_element_type3A_30 = arith.extui %eq3A_29 : i1 to i32
    %cond3A_31 = arith.constant 0 : i32
    %cond3A_32 = arith.cmpi ne, %convert_element_type3A_30, %cond3A_31 : i32
    scf.if %cond3A_32 {
      %get3A_33 = arith.constant 0 : index
      %get3A_34 = vector.load %arg10[%get3A_33] : memref<512xi32, #tpu.memory_space<vmem>>, vector<512xi32>
      %swap3A_35 = arith.constant 0 : index
      %swap3A_36 = vector.load %arg7[%swap3A_35] : memref<512xi32, #tpu.memory_space<vmem>>, vector<512xi32>
      tpu.vector_store %arg7[%swap3A_35], %get3A_34 {strides = array<i32>} : memref<512xi32, #tpu.memory_space<vmem>>, vector<512xi32>,
    } else {
    }
    return
  }
  func.func @transform_0(%arg0: i32, %arg1: i32) -> (i32, i32) {
    %c0_i32 = arith.constant 0 : i32
    %c0_i32_0 = arith.constant 0 : i32
    return %arg0, %c0_i32 : i32, i32
  }
  func.func @transform_1(%arg0: i32, %arg1: i32) -> (i32, i32) {
    %c0_i32 = arith.constant 0 : i32
    %c0_i32_0 = arith.constant 0 : i32
    %c0_i32_1 = arith.constant 0 : i32
    return %c0_i32, %c0_i32_0 : i32, i32
  }
  func.func @transform_2(%arg0: i32, %arg1: i32) -> (i32, i32) {
    %c0_i32 = arith.constant 0 : i32
    %c0_i32_0 = arith.constant 0 : i32
    %c0_i32_1 = arith.constant 0 : i32
    return %c0_i32, %c0_i32_0 : i32, i32
  }
  func.func @transform_3(%arg0: i32, %arg1: i32) -> i32 {
    %c0_i32 = arith.constant 0 : i32
    return %arg0 : i32
  }
  func.func @transform_4(%arg0: i32, %arg1: i32) -> (i32, i32) {
    %c0_i32 = arith.constant 0 : i32
    %c0_i32_0 = arith.constant 0 : i32
    return %arg1, %c0_i32 : i32, i32
  }
  func.func @transform_5(%arg0: i32, %arg1: i32) -> i32 {
    %c0_i32 = arith.constant 0 : i32
    return %arg0 : i32
  }
}

</mosaic_0001>

<sc_bundles>
// kernel: kernel.4.cloned.1.call-start
scs
__scs_entry_jumppad:
0x0: {  	(pc) =	sbr.rel $0x88, $3  }
0x1: {  	(tag) =	ssettag $0x0;
	lr =	simm.s32 $0x1  }
0x2: {  	[smem:$0x3F9D] =	sst lr;
	_ =	strace $0xD0000000  }
0x3: {  	_ = 	snop  }
0x4: {  	_ = 	snop  }
0x5: {  	_ = 	snop  }
0x6: {  	_ = 	snop  }
0x7: {  	_ = 	snop  }
__scs_overlays_trampoline_lowered:
0x8: {  	[smem:$0x3FAC] =	sst s0  }
0x9: {  	[smem:$0x3FAD] =	sst s1  }
0xa: {  	[smem:$0x3FAE] =	sst s2  }
0xb: {  	[smem:$0x3FAF] =	sst s3  }
0xc: {  	[smem:$0x3FB0] =	sst s4  }
0xd: {  	[smem:$0x3FB1] =	sst s5  }
0xe: {  	[smem:$0x3FB2] =	sst s6  }
0xf: {  	[smem:$0x3FB3] =	sst s7  }
0x10: {  	[smem:$0x3FB4] =	sst s8  }
0x11: {  	[smem:$0x3FB5] =	sst s9;
	s0 =	simm.s32 @!p0 $0x0  }
0x12: {  	s1 =	sld [smem:$0x3F9B];
	s0 =	simm.s32 @p0 $0x1  }
0x13: {  	[smem:$0x3FB6] =	sst s0;
	s0 =	simm.s32 @!p1 $0x0  }
0x14: {  	s2 =	sld [smem:$0x3F9A];
	s0 =	simm.s32 @p1 $0x1  }
0x15: {  	[smem:$0x3FB7] =	sst s0;
	s0 =	simm.s32 @!p2 $0x0  }
0x16: {  	s3 =	sld [smem:$0x3FDB];
	s0 =	simm.s32 @p2 $0x1  }
0x17: {  	s4 =	simm.s32 $0x1BF5;
	[smem:$0x3FB9] =	sst s0  }
0x18: {  	s0 =	sld [smem:$0x3F9C];
	_ =	swait.ge [sflag:s4], $0x0  }
0x19: {  	s7 =	sld [smem:$0x3F9D]  }
0x1a: {  	s8 =	sadd.s32 $0xFFFFE003, lr  }
0x1b: {  	s9 =	sadd.s32 $0xFFFFFEF7, lr;
	s5 =	simm.s32 $0xFFFFFFFF;
	p2 =	slt.u32 s8, $0xFFFFF086  }
0x1c: {  	p1 =	slt.u32 s9, $0xF7A;
	s5 =	simm.s32 @!p2 $0x0  }
0x1d: {  	s5 =	simm.s32 @p1 $0x1;
	p0 =	seq.s32 s7, s2  }
0x1e: {  	s7 =	smul.u32 @!p0 $0xF7A, s2;
	p2 =	seq.s32 @!p0 s5, $0x0  }
0x1f: {  	s9 =	smul.u32 $0xF7A, s1;
	s8 =	simm.s32 @!p0 $0x1BF5;
	p2 =	por !p2, p0  }
0x20: {  	[sflag:s8] =	ssyncset.s32 @!p0 $0xFFFFF086;
	s6 =	sadd.s32 @!p0 s3, s7;
	s7 =	simm.s32 @!p0 $0x108  }
0x21: {  	s3 =	sadd.s32 s3, s9;
	s6 =	sadd.s32 @!p0 $0x88, s6;
	s7 =	simm.s32 @p2 $0x1082  }
0x22: {  	[simem:s7], [sflag:s8] =	dma.local @!p0 [hbm:s6], $0xF7A  }
0x23: {  	s9 =	sor.u32 $0xD0000000, s2;
	s6 =	simm.s32 $0x108;
	_ =	swait.ge @!p0 [sflag:s8], $0x0  }
0x24: {  	s3 =	sadd.s32 $0x88, s3;
	s6 =	simm.s32 @!p1 $0x1082;
	[sflag:s4] =	ssyncset.s32 $0xFFFFF086  }
0x25: {  	[simem:s6], [sflag:s4] =	dma.local [hbm:s3], $0xF7A  }
0x26: {  	[smem:$0x3F9D] =	sst s1;
	(tag) =	ssettag s2;
	_ =	strace s9  }
0x27: {  	s1 =	sld [smem:$0x3FAD]  }
0x28: {  	s2 =	sld [smem:$0x3FAE]  }
0x29: {  	s4 =	sld [smem:$0x3FB0]  }
0x2a: {  	p0 =	seq.s32 s5, $0x0;
	s5 =	sld [smem:$0x3FB1]  }
0x2b: {  	s6 =	sld [smem:$0x3FB2]  }
0x2c: {  	s7 =	sld [smem:$0x3FB3]  }
0x2d: {  	s3 =	simm.s32 $0x108;
	s8 =	sld [smem:$0x3FB4]  }
0x2e: {  	s3 =	simm.s32 @!p0 $0x1082;
	s9 =	sld [smem:$0x3FB5]  }
0x2f: {  	lr =	sadd.s32 s0, s3;
	s0 =	sld [smem:$0x3FAC]  }
0x30: {  	s3 =	sld [smem:$0x3FAF]  }
0x31: {  	[smem:$0x3FB8] =	sst s10  }
0x32: {  	s10 =	sld [smem:$0x3FB6];
	_ =	sdelay $0x3  }
0x33: {  	p0 =	seq.s32 s10, $0x1;
	s10 =	sld [smem:$0x3FB8];
	_ =	sdelay $0x3  }
0x34: {  	[smem:$0x3FB8] =	sst s10  }
0x35: {  	s10 =	sld [smem:$0x3FB7];
	_ =	sdelay $0x3  }
0x36: {  	p1 =	seq.s32 s10, $0x1;
	s10 =	sld [smem:$0x3FB8];
	_ =	sdelay $0x3  }
0x37: {  	[smem:$0x3FB8] =	sst s10  }
0x38: {  	s10 =	sld [smem:$0x3FB9]  }
0x39: {  	_ = 	snop;
	(pc) =	sbr.ind lr, $3  }
0x3a: {  	_ = 	snop  }
0x3b: {  	_ = 	snop  }
0x3c: {  	p2 =	seq.s32 s10, $0x1;
	s10 =	sld [smem:$0x3FB8]  }
0x3d: {  	_ =	shalt  }
0x3e: {  	_ =	shalt  }
0x3f: {  	_ =	shalt  }
0x40: {  	_ =	shalt  }
0x41: {  	_ =	shalt  }
0x42: {  	_ =	shalt  }
0x43: {  	_ =	shalt  }
0x44: {  	_ =	shalt  }
0x45: {  	_ =	shalt  }
0x46: {  	_ =	shalt  }
0x47: {  	_ =	shalt  }
0x48: {  	_ =	shalt  }
0x49: {  	_ =	shalt  }
0x4a: {  	_ =	shalt  }
0x4b: {  	_ =	shalt  }
0x4c: {  	_ =	shalt  }
0x4d: {  	_ =	shalt  }
0x4e: {  	_ =	shalt  }
0x4f: {  	_ =	shalt  }
0x50: {  	_ =	shalt  }
0x51: {  	_ =	shalt  }
0x52: {  	_ =	shalt  }
0x53: {  	_ =	shalt  }
0x54: {  	_ =	shalt  }
0x55: {  	_ =	shalt  }
0x56: {  	_ =	shalt  }
0x57: {  	_ =	shalt  }
0x58: {  	_ =	shalt  }
0x59: {  	_ =	shalt  }
0x5a: {  	_ =	shalt  }
0x5b: {  	_ =	shalt  }
0x5c: {  	_ =	shalt  }
0x5d: {  	_ =	shalt  }
0x5e: {  	_ =	shalt  }
0x5f: {  	_ =	shalt  }
0x60: {  	_ =	shalt  }
0x61: {  	_ =	shalt  }
0x62: {  	_ =	shalt  }
0x63: {  	_ =	shalt  }
0x64: {  	_ =	shalt  }
0x65: {  	_ =	shalt  }
0x66: {  	_ =	shalt  }
0x67: {  	_ =	shalt  }
0x68: {  	_ =	shalt  }
0x69: {  	_ =	shalt  }
0x6a: {  	_ =	shalt  }
0x6b: {  	_ =	shalt  }
0x6c: {  	_ =	shalt  }
0x6d: {  	_ =	shalt  }
0x6e: {  	_ =	shalt  }
0x6f: {  	_ =	shalt  }
0x70: {  	_ =	shalt  }
0x71: {  	_ =	shalt  }
0x72: {  	_ =	shalt  }
0x73: {  	_ =	shalt  }
0x74: {  	_ =	shalt  }
0x75: {  	_ =	shalt  }
0x76: {  	_ =	shalt  }
0x77: {  	_ =	shalt  }
0x78: {  	_ =	shalt  }
0x79: {  	_ =	shalt  }
0x7a: {  	_ =	shalt  }
0x7b: {  	_ =	shalt  }
0x7c: {  	_ =	shalt  }
0x7d: {  	_ =	shalt  }
0x7e: {  	_ =	shalt  }
0x7f: {  	_ =	shalt  }
0x80: {  	_ =	shalt  }
0x81: {  	_ =	shalt  }
0x82: {  	_ =	shalt  }
0x83: {  	_ =	shalt  }
0x84: {  	_ =	shalt  }
0x85: {  	_ =	shalt  }
0x86: {  	_ =	shalt  }
0x87: {  	_ =	shalt  }
.Lfunc_end0:
.L_simem_size_0:
called_computation_lowered:
.L_overlay_start_0:
0x88: {  	s2 =	sld [smem:$0x3FD9]  }
0x89: {  	s3 =	sld [smem:$0x3FFE];
	_ =	sdelay $0x1  }
0x8a: {  	s1 =	srdreg.scid  }
0x8b: {  	s0 =	sand.u32 $0x1, s1  }
0x8c: {  	s14 =	sshll.u32 s0, $0xA;
	s2 =	sadd.s32 s3, s2  }
0x8d: {  	s2 =	sadd.s32 s2, s14  }
0x8e: {  	[smem:$0x3FC4] =	sst s2  }
0x8f: {  	_ = 	snop  }
0x90: {  	s2 =	sld [smem:$0x3FD0];
	_ =	sdelay $0x2  }
0x91: {  	s15 =	simm.s32 $0xA;
	s4 =	simm.s32 $0x10  }
0x92: {  	[smem:s4], [sflag:s15] =	dma.local [hbm:s2], $0x1  }
0x93: {  	_ =	swait.eq [sflag:s15], $0x1  }
0x94: {  	[sflag:s15] =	ssyncset.done $0x0  }
0x95: {  	s16 =	sld [smem:$0x10];
	[sflag:s15] =	ssyncadd.s32 $0xFFFFFFFF  }
0x96: {  	s17 =	sld [smem:$0x11];
	(tm) =	ssettm $0x1  }
0x97: {  	s18 =	sld [smem:$0x3FFB];
	_ =	sdelay $0x3  }
0x98: {  	_ =	strace s18  }
0x99: {  	s4 =	sld [smem:$0x3FFC];
	_ =	sdelay $0x3  }
0x9a: {  	_ =	strace s4  }
0x9b: {  	s4 =	sld [smem:$0x3FFD];
	_ =	sdelay $0x3  }
0x9c: {  	_ =	strace s4  }
0x9d: {  	_ =	strace $0x8FFFFFFF  }
0x9e: {  	s19 =	sld [smem:$0x3FDB];
	_ =	sdelay $0x1  }
0x9f: {  	s5 =	simm.s32 $_scs_section_size  }
0xa0: {  	s6 =	simm.s32 $_size__tile_overlayer_lowered;
	s7 =	simm.s32 $_tile_overlayer_lowered  }
0xa1: {  	s22 =	simm.s32 $0x1BFF;
	s21 =	sshll.u32 s7, $0x1;
	s4 =	sadd.s32 s5, s19  }
0xa2: {  	s8 =	simm.s32 $0x0;
	s20 =	sshll.u32 s6, $0x1;
	s6 =	sadd.s32 s21, s4  }
0xa3: {  	[timem:s8], [sflag:s22] =	dma.local [hbm:s6], s20  }
0xa4: {  	_ =	swait.ge [sflag:s22], s20  }
0xa5: {  	s5 =	ssub.s32 $0x0, s20;
	[sflag:s22] =	ssyncset.done $0x0  }
0xa6: {  	[sflag:s22] =	ssyncadd.s32 s5;
	_ =	sdelay $0x1  }
0xa7: {  	s23 =	simm.s32 $0x1B8B  }
0xa8: {  	_ =	swait.ge [sflag:s23], $0x1  }
0xa9: {  	[sflag:s23] =	ssyncset.done $0x0  }
0xaa: {  	s25 =	simm.s32 $0x1B8E;
	s24 =	sld [smem:$0x3FFE];
	[sflag:s23] =	ssyncadd.s32 $0xFFFFFFFF  }
0xab: {  	s26 =	simm.s32 $execute0_lowered;
	[smem:$0x3FD2] =	sst s25  }
0xac: {  	s6 =	sshll.u32 s26, $0x1;
	_ =	strace $0x80000046;
	[dreg:$0x1] =	wrdreg $0xFFFFFFFF  }
0xad: {  	s28 =	simm.s32 $_size_execute0_lowered;
	s4 =	sadd.s32 s4, s6;
	[dreg:$0x0] =	wrdreg $0x0  }
0xae: {  	s6 =	sshll.u32 s28, $0x1;
	[dreg:$0x2] =	wrdreg s4  }
0xaf: {  	[dreg:$0x3] =	wrdreg s6  }
0xb0: {  	[dreg:$0x4] =	wrdreg $0xC0  }
0xb1: {  	_ =	task [dreg:s8], $0x5FFFF  }
0xb2: {  	[dreg:$0x1] =	wrdreg $0xFFFFFFFF  }
0xb3: {  	[dreg:$0x0] =	wrdreg $0x60  }
0xb4: {  	[dreg:$0x2] =	wrdreg s24  }
0xb5: {  	[dreg:$0x3] =	wrdreg s17  }
0xb6: {  	[dreg:$0x4] =	wrdreg s16  }
0xb7: {  	[dreg:$0x5] =	wrdreg $0x9  }
0xb8: {  	_ =	task.clear_ibuf [dreg:s8], $0x6FFFF;
	_ =	strace $0x90000046  }
0xb9: {  	s29 =	simm.s32 $0x9;
	_ =	strace $0x80000048  }
0xba: {  	_ =	swait.ge [sflag:s29], $0x1  }
0xbb: {  	[sflag:s29] =	ssyncadd.s32 $0xFFFFFFFF  }
0xbc: {  	_ =	strace $0x90000048  }
0xbd: {  	_ =	sfence  }
0xbe: {  	s30 =	sld [smem:$0x0];
	_ =	sdelay $0x2  }
0xbf: {  	s31 =	sshll.u32 s1, $0xD;
	s1 =	sshrl.u32 s1, $0x2  }
0xc0: {  	s3 =	sand.u32 $0x4000, s31;
	s1 =	sadd.s32 s1, s30  }
0xc1: {  	s0 =	sor.u32 s3, s0;
	s1 =	sshll.u32 s1, $0x11  }
0xc2: {  	s0 =	sor.u32 s1, s0  }
0xc3: {  	s0 =	sadd.s32 $0x8F2B, s0  }
0xc4: {  	[sflag:s0] =	ssyncadd.remote.s32 $0x1  }
0xc5: {  	_ =	sfence.sel $0xFFFF  }
0xc6: {  	[dreg:$0x0] =	wrdreg $0xFFFFFFFF;
	(pc) =	sbr.abs _section_cstart, $3  }
0xc7: {  	[dreg:$0x1] =	wrdreg $0xFFFFFFFF  }
0xc8: {  	_ =	task.clear_ibuf [dreg:s8], $0x2FFFF;
	_ =	strace $0x9FFFFFFF  }
0xc9: {  	(tm) =	ssettm $0x7FFFFFFF  }
tec
execute0_lowered:
.L_overlay_start_1:
0x0: {  	(tag) =	ssettag $0x1  }
0x1: {  	s0 =	rddreg [dreg:$0x0]  }
0x2: {  	s1 =	rddreg [dreg:$0x1]  }
0x3: {  	s4 =	rddreg [dreg:$0x2];
	s2 =	simm.s32 $0x0;
	s3 =	srdreg.scid  }
0x4: {  	s14 =	stileid.u32;
	s26 =	simm.s32 $0x900;
	s15 =	simm.s32 $0x100  }
0x5: {  	s16 =	simm.s32 $0x1100;
	s17 =	simm.s32 $0x1900;
	s18 =	simm.s32 $0x2100  }
0x6: {  	s19 =	simm.s32 $0x2900;
	s20 =	simm.s32 $0x3100;
	s28 =	simm.s32 $0x6900  }
0x7: {  	s29 =	simm.s32 $0x7100;
	s30 =	simm.s32 $0x7900;
	s31 =	simm.s32 $0x1  }
0x8: {  	[smem:$0x7FF] =	sst s2;
	s12 =	sand.u32 $0x1, s3;
	s21 =	sshll.u32 s14, $0x9  }
0x9: {  	s3 =	sadd.s32 $0x800, s0;
	s8 =	sadd.s32 $0xC00, s0;
	s9 =	sadd.s32 $0xD00, s0  }
0xa: {  	s10 =	sadd.s32 $0xE00, s0;
	s11 =	sadd.s32 $0xF00, s0;
	s23 =	sshll.u32 s14, $0x11  }
0xb: {  	s14 =	simm.s32 $0x2;
	s5 =	ssub.s32 $0x2, s12;
	s6 =	sshll.u32 s12, $0x8  }
0xc: {  	_ =	strace $0x80000047;
	s25 =	sshll.u32 s12, $0x10;
	[dreg:$0x4] =	wrdreg s26  }
0xd: {  	s26 =	simm.s32 $0x6100;
	s7 =	sshrl.u32 s5, $0x1;
	s6 =	sor.u32 s6, s21  }
0xe: {  	s21 =	simm.s32 $0x3900;
	s13 =	ssub.s32 s5, s7;
	s22 =	sshrl.u32 s6, $0x3  }
0xf: {  	s5 =	sadd.s32 $0x900, s0;
	s6 =	sadd.s32 $0xA00, s0;
	s7 =	sadd.s32 $0xB00, s0  }
0x10: {  	s0 =	sadd.s32 s23, s4;
	s23 =	simm.s32 $0x4900;
	s1 =	sadd.s32 s1, s22  }
0x11: {  	v2 =	vlaneseq.u32;
	s24 =	smax.u32 s13, $0x1;
	s0 =	sadd.s32 s25, s0;
	[dreg:$0x5] =	wrdreg s1  }
0x12: {  	vm0 =	vmmov $0xffff;
	v1 =	vshrl.u32 v2, $0x3;
	s22 =	simm.s32 $0x4100;
	s25 =	simm.s32 $0x5900;
	[dreg:$0x6] =	wrdreg s24  }
0x13: {  	v0 =	vand.u32 $0x7, v2;
	v2 =	vor.u32 $0x8, v2;
	v1 =	vmul.u32 $0x8, v1;
	[dreg:$0x7] =	wrdreg s0;
	s24 =	simm.s32 $0x5100;
	s1 =	simm.s32 $0x0  }
.LBB2_1:
0x14: {  	[dreg:$0x8] =	wrdreg s1  }
0x15: {  	s0 =	rddreg [dreg:$0x5]  }
0x16: {  	[tilespmem:s2], [sflag:$0x2] =	stream.linear.gather [hbm4b:s0+s2], $0x100, $0x38;
	[tilespmem:$0x8100] =	vst v63  }
0x17: {  	_ =	swait.ge [sflag:s14], $0x100  }
0x18: {  	[sflag:s14] =	ssyncset.done $0x0  }
0x19: {  	s4 =	simm.s32 $0x0;
	[sflag:s14] =	ssyncadd.s32 $0xFFFFFF00  }
0x1a: {  	v3 =	vld [tilespmem:s4+$0x0];
	_ =	sdelay $0x4  }
0x1b: {  	v4 =	vshll.u32 v3, $0x4  }
0x1c: {  	v3 =	vand.u32 $0x7, v3;
	v4 =	vand.u32 $0xFFFFFF80, v4  }
0x1d: {  	v3 =	vor.u32 v3, v4  }
0x1e: {  	v4 =	vperm.xlane v3, v0;
	_ =	sdelay $0x1  }
0x1f: {  	v4 =	vadd.s32 v1, v4;
	_ =	sdelay $0x4  }
0x20: {  	[tilespmem:s15], [sflag:$0x1] =	stream.indirect_vreg.gather [hbm4b:s3+s2], $0x80, v4, vm0, $0xb8;
	[tilespmem:$0x8100] =	vst v63  }
0x21: {  	s12 =	rddreg [dreg:$0x4]  }
0x22: {  	[tilespmem:s12], [sflag:$0x1] =	stream.indirect_vreg.gather [hbm4b:s5+s2], $0x80, v4, vm0, $0xb8;
	[tilespmem:$0x8100] =	vst v63  }
0x23: {  	_ = 	snop  }
0x24: {  	[tilespmem:s16], [sflag:$0x1] =	stream.indirect_vreg.gather [hbm4b:s6+s2], $0x80, v4, vm0, $0xb8;
	[tilespmem:$0x8100] =	vst v63  }
0x25: {  	_ = 	snop  }
0x26: {  	[tilespmem:s17], [sflag:$0x1] =	stream.indirect_vreg.gather [hbm4b:s7+s2], $0x80, v4, vm0, $0xb8;
	[tilespmem:$0x8100] =	vst v63  }
0x27: {  	_ = 	snop  }
0x28: {  	[tilespmem:s18], [sflag:$0x1] =	stream.indirect_vreg.gather [hbm4b:s8+s2], $0x80, v4, vm0, $0xb8;
	[tilespmem:$0x8100] =	vst v63  }
0x29: {  	v3 =	vperm.xlane v3, v2  }
0x2a: {  	[tilespmem:s19], [sflag:$0x1] =	stream.indirect_vreg.gather [hbm4b:s9+s2], $0x80, v4, vm0, $0xb8;
	[tilespmem:$0x8100] =	vst v63  }
0x2b: {  	v3 =	vadd.s32 v1, v3  }
0x2c: {  	[tilespmem:s20], [sflag:$0x1] =	stream.indirect_vreg.gather [hbm4b:s10+s2], $0x80, v4, vm0, $0xb8;
	[tilespmem:$0x8100] =	vst v63  }
0x2d: {  	_ = 	snop  }
0x2e: {  	[tilespmem:s21], [sflag:$0x1] =	stream.indirect_vreg.gather [hbm4b:s11+s2], $0x80, v4, vm0, $0xb8;
	[tilespmem:$0x8100] =	vst v63  }
0x2f: {  	_ = 	snop  }
0x30: {  	[tilespmem:s22], [sflag:$0x1] =	stream.indirect_vreg.gather [hbm4b:s3+s2], $0x80, v3, vm0, $0xb8;
	[tilespmem:$0x8100] =	vst v63  }
0x31: {  	_ = 	snop  }
0x32: {  	[tilespmem:s23], [sflag:$0x1] =	stream.indirect_vreg.gather [hbm4b:s5+s2], $0x80, v3, vm0, $0xb8;
	[tilespmem:$0x8100] =	vst v63  }
0x33: {  	_ = 	snop  }
0x34: {  	[tilespmem:s24], [sflag:$0x1] =	stream.indirect_vreg.gather [hbm4b:s6+s2], $0x80, v3, vm0, $0xb8;
	[tilespmem:$0x8100] =	vst v63  }
0x35: {  	_ = 	snop  }
0x36: {  	[tilespmem:s25], [sflag:$0x1] =	stream.indirect_vreg.gather [hbm4b:s7+s2], $0x80, v3, vm0, $0xb8;
	[tilespmem:$0x8100] =	vst v63  }
0x37: {  	_ = 	snop  }
0x38: {  	[tilespmem:s26], [sflag:$0x1] =	stream.indirect_vreg.gather [hbm4b:s8+s2], $0x80, v3, vm0, $0xb8;
	[tilespmem:$0x8100] =	vst v63  }
0x39: {  	_ = 	snop  }
0x3a: {  	[tilespmem:s28], [sflag:$0x1] =	stream.indirect_vreg.gather [hbm4b:s9+s2], $0x80, v3, vm0, $0xb8;
	[tilespmem:$0x8100] =	vst v63  }
0x3b: {  	_ = 	snop  }
0x3c: {  	[tilespmem:s29], [sflag:$0x1] =	stream.indirect_vreg.gather [hbm4b:s10+s2], $0x80, v3, vm0, $0xb8;
	[tilespmem:$0x8100] =	vst v63  }
0x3d: {  	_ = 	snop  }
0x3e: {  	[tilespmem:s30], [sflag:$0x1] =	stream.indirect_vreg.gather [hbm4b:s11+s2], $0x80, v3, vm0, $0xb8;
	[tilespmem:$0x8100] =	vst v63  }
0x3f: {  	_ =	swait.ge [sflag:s31], $0x8000  }
0x40: {  	[sflag:s31] =	ssyncset.done $0x0  }
0x41: {  	s13 =	rddreg [dreg:$0x7];
	[sflag:s31] =	ssyncadd.s32 $0xFFFF8000  }
0x42: {  	[hbm4b:s13+s2] =	stream.linear.scatter [tilespmem:s15], [sflag:$0x2], $0x8000, $0x38;
	[tilespmem:$0x8100] =	vst v63  }
0x43: {  	s4 =	simm.s32 $0x40;
	_ =	swait.ge [sflag:s14], $0x8000  }
0x44: {  	s12 =	simm.s32 $0x80;
	s1 =	sadd.s32 $0x1000, s13;
	[sflag:s14] =	ssyncset.done $0x0  }
.LBB2_2:
0x45: {  	s0 =	sshra.s32 s4, $0x2;
	[sflag:s14] =	ssyncadd.s32 $0xFFFF8000  }
0x46: {  	v3 =	vld [tilespmem:s0+$0x0];
	_ =	sdelay $0x4  }
0x47: {  	v4 =	vshll.u32 v3, $0x4  }
0x48: {  	v3 =	vand.u32 $0x7, v3;
	v4 =	vand.u32 $0xFFFFFF80, v4  }
0x49: {  	v3 =	vor.u32 v3, v4  }
0x4a: {  	v4 =	vperm.xlane v3, v0;
	_ =	sdelay $0x1  }
0x4b: {  	v4 =	vadd.s32 v1, v4;
	_ =	sdelay $0x3  }
0x4c: {  	s4 =	smov.u32 s12  }
0x4d: {  	[tilespmem:s15], [sflag:$0x1] =	stream.indirect_vreg.gather [hbm4b:s3+s2], $0x80, v4, vm0, $0xb8;
	[tilespmem:$0x8100] =	vst v63  }
0x4e: {  	s13 =	sadd.s32 $0x40, s12;
	p0 =	sne.s32 s12, $0x3C0;
	s12 =	rddreg [dreg:$0x4]  }
0x4f: {  	[tilespmem:s12], [sflag:$0x1] =	stream.indirect_vreg.gather [hbm4b:s5+s2], $0x80, v4, vm0, $0xb8;
	[tilespmem:$0x8100] =	vst v63  }
0x50: {  	_ = 	snop  }
0x51: {  	[tilespmem:s16], [sflag:$0x1] =	stream.indirect_vreg.gather [hbm4b:s6+s2], $0x80, v4, vm0, $0xb8;
	[tilespmem:$0x8100] =	vst v63  }
0x52: {  	_ = 	snop  }
0x53: {  	[tilespmem:s17], [sflag:$0x1] =	stream.indirect_vreg.gather [hbm4b:s7+s2], $0x80, v4, vm0, $0xb8;
	[tilespmem:$0x8100] =	vst v63  }
0x54: {  	_ = 	snop  }
0x55: {  	[tilespmem:s18], [sflag:$0x1] =	stream.indirect_vreg.gather [hbm4b:s8+s2], $0x80, v4, vm0, $0xb8;
	[tilespmem:$0x8100] =	vst v63  }
0x56: {  	v3 =	vperm.xlane v3, v2  }
0x57: {  	[tilespmem:s19], [sflag:$0x1] =	stream.indirect_vreg.gather [hbm4b:s9+s2], $0x80, v4, vm0, $0xb8;
	[tilespmem:$0x8100] =	vst v63  }
0x58: {  	v3 =	vadd.s32 v1, v3  }
0x59: {  	[tilespmem:s20], [sflag:$0x1] =	stream.indirect_vreg.gather [hbm4b:s10+s2], $0x80, v4, vm0, $0xb8;
	[tilespmem:$0x8100] =	vst v63  }
0x5a: {  	_ = 	snop  }
0x5b: {  	[tilespmem:s21], [sflag:$0x1] =	stream.indirect_vreg.gather [hbm4b:s11+s2], $0x80, v4, vm0, $0xb8;
	[tilespmem:$0x8100] =	vst v63  }
0x5c: {  	_ = 	snop  }
0x5d: {  	[tilespmem:s22], [sflag:$0x1] =	stream.indirect_vreg.gather [hbm4b:s3+s2], $0x80, v3, vm0, $0xb8;
	[tilespmem:$0x8100] =	vst v63  }
0x5e: {  	_ = 	snop  }
0x5f: {  	[tilespmem:s23], [sflag:$0x1] =	stream.indirect_vreg.gather [hbm4b:s5+s2], $0x80, v3, vm0, $0xb8;
	[tilespmem:$0x8100] =	vst v63  }
0x60: {  	_ = 	snop  }
0x61: {  	[tilespmem:s24], [sflag:$0x1] =	stream.indirect_vreg.gather [hbm4b:s6+s2], $0x80, v3, vm0, $0xb8;
	[tilespmem:$0x8100] =	vst v63  }
0x62: {  	_ = 	snop  }
0x63: {  	[tilespmem:s25], [sflag:$0x1] =	stream.indirect_vreg.gather [hbm4b:s7+s2], $0x80, v3, vm0, $0xb8;
	[tilespmem:$0x8100] =	vst v63  }
0x64: {  	_ = 	snop  }
0x65: {  	[tilespmem:s26], [sflag:$0x1] =	stream.indirect_vreg.gather [hbm4b:s8+s2], $0x80, v3, vm0, $0xb8;
	[tilespmem:$0x8100] =	vst v63  }
0x66: {  	_ = 	snop  }
0x67: {  	[tilespmem:s28], [sflag:$0x1] =	stream.indirect_vreg.gather [hbm4b:s9+s2], $0x80, v3, vm0, $0xb8;
	[tilespmem:$0x8100] =	vst v63  }
0x68: {  	_ = 	snop  }
0x69: {  	[tilespmem:s29], [sflag:$0x1] =	stream.indirect_vreg.gather [hbm4b:s10+s2], $0x80, v3, vm0, $0xb8;
	[tilespmem:$0x8100] =	vst v63  }
0x6a: {  	_ = 	snop  }
0x6b: {  	[tilespmem:s30], [sflag:$0x1] =	stream.indirect_vreg.gather [hbm4b:s11+s2], $0x80, v3, vm0, $0xb8;
	[tilespmem:$0x8100] =	vst v63  }
0x6c: {  	_ =	swait.ge [sflag:s31], $0x8000  }
.Ltmp0:
0x6d: {  	[sflag:s31] =	ssyncset.done $0x0;
	(pc) =	sbr.rel @p0 .LBB2_2-.Ltmp0, $4  }
0x6e: {  	[sflag:s31] =	ssyncadd.s32 $0xFFFF8000  }
0x6f: {  	[hbm4b:s1+s2] =	stream.linear.scatter [tilespmem:s15], [sflag:$0x2], $0x8000, $0x38;
	[tilespmem:$0x8100] =	vst v63  }
0x70: {  	_ =	swait.ge [sflag:s14], $0x8000  }
0x71: {  	s12 =	smov.u32 s13;
	s1 =	sadd.s32 $0x1000, s1;
	[sflag:s14] =	ssyncset.done $0x0  }
0x72: {  	s0 =	sshra.s32 s4, $0x2;
	[sflag:s14] =	ssyncadd.s32 $0xFFFF8000  }
0x73: {  	v3 =	vld [tilespmem:s0+$0x0];
	_ =	sdelay $0x4  }
0x74: {  	v4 =	vshll.u32 v3, $0x4  }
0x75: {  	v3 =	vand.u32 $0x7, v3;
	v4 =	vand.u32 $0xFFFFFF80, v4  }
0x76: {  	v3 =	vor.u32 v3, v4  }
0x77: {  	v4 =	vperm.xlane v3, v0;
	_ =	sdelay $0x1  }
0x78: {  	v4 =	vadd.s32 v1, v4;
	_ =	sdelay $0x4  }
0x79: {  	[tilespmem:s15], [sflag:$0x1] =	stream.indirect_vreg.gather [hbm4b:s3+s2], $0x80, v4, vm0, $0xb8;
	[tilespmem:$0x8100] =	vst v63  }
0x7a: {  	s4 =	rddreg [dreg:$0x4]  }
0x7b: {  	[tilespmem:s4], [sflag:$0x1] =	stream.indirect_vreg.gather [hbm4b:s5+s2], $0x80, v4, vm0, $0xb8;
	[tilespmem:$0x8100] =	vst v63  }
0x7c: {  	_ = 	snop  }
0x7d: {  	[tilespmem:s16], [sflag:$0x1] =	stream.indirect_vreg.gather [hbm4b:s6+s2], $0x80, v4, vm0, $0xb8;
	[tilespmem:$0x8100] =	vst v63  }
0x7e: {  	_ = 	snop  }
0x7f: {  	[tilespmem:s17], [sflag:$0x1] =	stream.indirect_vreg.gather [hbm4b:s7+s2], $0x80, v4, vm0, $0xb8;
	[tilespmem:$0x8100] =	vst v63  }
0x80: {  	_ = 	snop  }
0x81: {  	[tilespmem:s18], [sflag:$0x1] =	stream.indirect_vreg.gather [hbm4b:s8+s2], $0x80, v4, vm0, $0xb8;
	[tilespmem:$0x8100] =	vst v63  }
0x82: {  	v3 =	vperm.xlane v3, v2  }
0x83: {  	[tilespmem:s19], [sflag:$0x1] =	stream.indirect_vreg.gather [hbm4b:s9+s2], $0x80, v4, vm0, $0xb8;
	[tilespmem:$0x8100] =	vst v63  }
0x84: {  	v3 =	vadd.s32 v1, v3  }
0x85: {  	[tilespmem:s20], [sflag:$0x1] =	stream.indirect_vreg.gather [hbm4b:s10+s2], $0x80, v4, vm0, $0xb8;
	[tilespmem:$0x8100] =	vst v63  }
0x86: {  	_ = 	snop  }
0x87: {  	[tilespmem:s21], [sflag:$0x1] =	stream.indirect_vreg.gather [hbm4b:s11+s2], $0x80, v4, vm0, $0xb8;
	[tilespmem:$0x8100] =	vst v63  }
0x88: {  	_ = 	snop  }
0x89: {  	[tilespmem:s22], [sflag:$0x1] =	stream.indirect_vreg.gather [hbm4b:s3+s2], $0x80, v3, vm0, $0xb8;
	[tilespmem:$0x8100] =	vst v63  }
0x8a: {  	_ = 	snop  }
0x8b: {  	[tilespmem:s23], [sflag:$0x1] =	stream.indirect_vreg.gather [hbm4b:s5+s2], $0x80, v3, vm0, $0xb8;
	[tilespmem:$0x8100] =	vst v63  }
0x8c: {  	_ = 	snop  }
0x8d: {  	[tilespmem:s24], [sflag:$0x1] =	stream.indirect_vreg.gather [hbm4b:s6+s2], $0x80, v3, vm0, $0xb8;
	[tilespmem:$0x8100] =	vst v63  }
0x8e: {  	_ = 	snop  }
0x8f: {  	[tilespmem:s25], [sflag:$0x1] =	stream.indirect_vreg.gather [hbm4b:s7+s2], $0x80, v3, vm0, $0xb8;
	[tilespmem:$0x8100] =	vst v63  }
0x90: {  	_ = 	snop  }
0x91: {  	[tilespmem:s26], [sflag:$0x1] =	stream.indirect_vreg.gather [hbm4b:s8+s2], $0x80, v3, vm0, $0xb8;
	[tilespmem:$0x8100] =	vst v63  }
0x92: {  	_ = 	snop  }
0x93: {  	[tilespmem:s28], [sflag:$0x1] =	stream.indirect_vreg.gather [hbm4b:s9+s2], $0x80, v3, vm0, $0xb8;
	[tilespmem:$0x8100] =	vst v63  }
0x94: {  	_ = 	snop  }
0x95: {  	[tilespmem:s29], [sflag:$0x1] =	stream.indirect_vreg.gather [hbm4b:s10+s2], $0x80, v3, vm0, $0xb8;
	[tilespmem:$0x8100] =	vst v63  }
0x96: {  	_ = 	snop  }
0x97: {  	[tilespmem:s30], [sflag:$0x1] =	stream.indirect_vreg.gather [hbm4b:s11+s2], $0x80, v3, vm0, $0xb8;
	[tilespmem:$0x8100] =	vst v63  }
0x98: {  	_ =	swait.ge [sflag:s31], $0x8000  }
0x99: {  	[sflag:s31] =	ssyncset.done $0x0  }
0x9a: {  	[sflag:s31] =	ssyncadd.s32 $0xFFFF8000  }
0x9b: {  	[hbm4b:s1+s2] =	stream.linear.scatter [tilespmem:s15], [sflag:$0x2], $0x8000, $0x38;
	[tilespmem:$0x8100] =	vst v63  }
0x9c: {  	_ =	swait.ge [sflag:s14], $0x8000  }
0x9d: {  	s12 =	rddreg [dreg:$0x8]  }
0x9e: {  	s13 =	rddreg [dreg:$0x6];
	s1 =	sadd.s32 $0x1, s12  }
0x9f: {  	p0 =	sne.s32 s1, s13  }
.Ltmp1:
0xa0: {  	_ = 	snop;
	(pc) =	sbr.rel @p0 .LBB2_1-.Ltmp1, $3  }
0xa1: {  	_ =	sdelay $0x1  }
0xa2: {  	[sflag:s14] =	ssyncset.done $0x0  }
0xa3: {  	[sflag:s14] =	ssyncadd.s32 $0xFFFF8000  }
0xa4: {  	_ =	sfence.sel $0x180000  }
0xa5: {  	[bflag:$0x0] =	sbarrier.arrive $0xFFFF  }
0xa6: {  	_ =	strace $0x90000047  }
0xa7: {  	s0 =	stileid.u32;
	[bflag:$0x2] =	sbarrier.arrive $0xFFFF  }
0xa8: {  	p0 =	sne.s32 s0, $0x0;
	s0 =	rddreg [dreg:$0x3]  }
0xa9: {  	s0 =	sadd.s32 @!p0 $0x100000, s0  }
0xaa: {  	[sflag:s0] =	ssyncadd.tile.s32 @!p0 $0x1;
	_ =	shalt  }
.Lfunc_end2:
_tile_overlayer_lowered:
.L_overlay_start_2:
0xab: {  	(tag) =	ssettag $0x2  }
0xac: {  	s0 =	rddreg [dreg:$0x0];
	s2 =	stileid.u32  }
0xad: {  	s1 =	rddreg [dreg:$0x1];
	p0 =	sne.s32 s2, $0x0  }
0xae: {  	s3 =	rddreg [dreg:$0x2];
	[bflag:$0x3] =	sbarrier.arrive $0xFFFF;
	s2 =	simm.s32 @!p0 $0x1C02  }
0xaf: {  	[timem:s3], [sflag:s2] =	dma.local @!p0 [hbm:s0], s1  }
0xb0: {  	s0 =	simm.s32 @!p0 $0x2  }
0xb1: {  	_ =	swait.ge @!p0 [sflag:s0], s1  }
0xb2: {  	s1 =	ssub.s32 @!p0 $0x0, s1;
	[sflag:s0] =	ssyncset.done @!p0 $0x0  }
0xb3: {  	[sflag:s0] =	ssyncadd.s32 @!p0 s1  }
0xb4: {  	[bflag:$0x3] =	sbarrier.arrive $0xFFFF  }
0xb5: {  	_ =	shalt  }

</sc_bundles>
